<compile_context>
chip_gen: v7x
topology: tpu7x:2x2x1
jax: 0.10.2.dev20260603
libtpu: 0.0.44.dev20260713+nightly
codegen_flags: <defaults>
</compile_context>

<pallas_src>
import functools

import jax
import jax.numpy as jnp
from jax import lax
from jax.experimental import pallas as pl
from jax.experimental.pallas import tpu as pltpu
from jax.experimental.pallas import tpu_sc as plsc

B = 16384
F = 26
V = 32
L = 16
NW = 32
BPW = B // NW
GRP = BPW // L

_mesh = plsc.VectorSubcoreMesh(core_axis_name="c", subcore_axis_name="s")


@functools.partial(
    pl.kernel,
    mesh=_mesh,
    out_type=jax.ShapeDtypeStruct((B,), jnp.float32),
    scratch_types=[
        pltpu.VMEM((F * V,), jnp.float32),
        pltpu.VMEM((F, BPW), jnp.int32),
        pltpu.VMEM((BPW,), jnp.float32),
        pltpu.VMEM((L,), jnp.float32),
    ],
    compiler_params=pltpu.CompilerParams(needs_layout_passes=False),
)
def _emb_sum_kernel(xt_hbm, tab_hbm, free_hbm, out_hbm,
                    tab_v, x_v, out_v, free_v):
    wid = lax.axis_index("s") * 2 + lax.axis_index("c")
    base = wid * BPW

    pltpu.sync_copy(tab_hbm, tab_v)
    pltpu.sync_copy(free_hbm, free_v)
    pltpu.sync_copy(xt_hbm.at[wid], x_v)

    free_vec = free_v[...]

    def body(j, _):
        o = j * L
        acc = free_vec
        for f in range(F):
            idx = x_v[f, pl.ds(o, L)] + (f * V)
            acc = acc + plsc.load_gather(tab_v, [idx])
        out_v[pl.ds(o, L)] = acc
        return _

    lax.fori_loop(0, GRP, body, None)
    pltpu.sync_copy(out_v, out_hbm.at[pl.ds(base, BPW)])


def kernel(X, emb_weights, free_term):
    xt = X.reshape(NW, BPW, F).transpose(0, 2, 1)
    tab = emb_weights.reshape(F * V)
    free = jnp.broadcast_to(free_term, (L,))
    return _emb_sum_kernel(xt, tab, free)

# --- scband reference (transcript-rebuilt; emitter-appended) ---
"""Pipeline reference for scband-embedding-sum-module-31198642438219 (READ-ONLY COPY).

The authoritative reference and input builder live on the scoring server;
editing this copy changes nothing except your own understanding.
"""

import jax, jax.numpy as jnp
import numpy as np

B = 16384
F = 26
V = 32

def setup_inputs(seed: int = 0) -> dict:
    key = jax.random.key(seed)
    k1, k2 = jax.random.split(key)
    X = jax.random.randint(k1, (B, F), 0, V, dtype=jnp.int32)
    # Learned per-field embedding tables, stacked: [F, V, 1]
    # (torch init is zeros; use small random values for a nontrivial reference)
    emb_weights = jax.random.normal(k2, (F, V, 1), dtype=jnp.float32) * 0.01
    free_term = jnp.zeros((1,), dtype=jnp.float32)
    return {"X": X, "emb_weights": emb_weights, "free_term": free_term}

def reference(X, emb_weights, free_term):
    # result = free_term.expand(B) + sum_i emb_i(X[:, i]).flatten()
    Bn = X.shape[0]
    Fn = X.shape[1]
    vals = emb_weights[:, :, 0]                      # [F, V]
    gathered = vals[jnp.arange(Fn)[None, :], X]      # [B, F] per-field gather
    result = jnp.broadcast_to(free_term, (Bn,)) + gathered.sum(axis=1)
    return result

if __name__ == "__main__":
    import jax
    _d = setup_inputs()
    print(jax.jit(kernel)(*tuple(_d.values())))

</pallas_src>

<mosaic_0001>
#map = affine_map<(d0, d1) -> (0, 0, 0)>
#map1 = affine_map<(d0, d1) -> (0)>
module attributes {stable_mosaic.version = 14 : i64} {
  func.func @_emb_sum_kernel(%arg0: i32, %arg1: i32, %arg2: memref<32x26x512xi32, #tpu.memory_space<hbm>>, %arg3: memref<832xf32, #tpu.memory_space<hbm>>, %arg4: memref<16xf32, #tpu.memory_space<hbm>>, %arg5: memref<16384xf32, #tpu.memory_space<hbm>>, %arg6: memref<832xf32, #tpu.memory_space<vmem>>, %arg7: memref<26x512xi32, #tpu.memory_space<vmem>>, %arg8: memref<512xf32, #tpu.memory_space<vmem>>, %arg9: memref<16xf32, #tpu.memory_space<vmem>>) attributes {dimension_semantics = [#tpu.dimension_semantics<core_parallel>, #tpu.dimension_semantics<subcore_parallel>], iteration_bounds = array<i64: 2, 16>, scalar_prefetch = 0 : i64, scratch_operands = 4 : i64, tpu.core_type = #tpu.core_type<sc_vector_subcore>, window_params = [{transform_indices = #map}, {transform_indices = #map1}, {transform_indices = #map1}, {transform_indices = #map1}]} {
    %mul3A = arith.constant 2 : i32
    %mul3A_0 = arith.muli %arg1, %mul3A : i32
    %add3A = arith.addi %mul3A_0, %arg0 : i32
    %mul3A_1 = arith.constant 512 : i32
    %mul3A_2 = arith.muli %add3A, %mul3A_1 : i32
    "tpu.region"() ({
      %run_scoped3A = tpu.sem_alloc : memref<!tpu.dma_semaphore, #tpu.memory_space<semaphore_mem>>
      tpu.enqueue_dma source(%arg3 : memref<832xf32, #tpu.memory_space<hbm>>) target(%arg6 : memref<832xf32, #tpu.memory_space<vmem>>) target_semaphore(%run_scoped3A : memref<!tpu.dma_semaphore, #tpu.memory_space<semaphore_mem>>)
      tpu.wait_dma2 semaphore(%run_scoped3A : memref<!tpu.dma_semaphore, #tpu.memory_space<semaphore_mem>>) src(%arg3 : memref<832xf32, #tpu.memory_space<hbm>>) dst(%arg6 : memref<832xf32, #tpu.memory_space<vmem>>)
      tpu.yield
    }) : () -> ()
    "tpu.region"() ({
      %run_scoped3A = tpu.sem_alloc : memref<!tpu.dma_semaphore, #tpu.memory_space<semaphore_mem>>
      tpu.enqueue_dma source(%arg4 : memref<16xf32, #tpu.memory_space<hbm>>) target(%arg9 : memref<16xf32, #tpu.memory_space<vmem>>) target_semaphore(%run_scoped3A : memref<!tpu.dma_semaphore, #tpu.memory_space<semaphore_mem>>)
      tpu.wait_dma2 semaphore(%run_scoped3A : memref<!tpu.dma_semaphore, #tpu.memory_space<semaphore_mem>>) src(%arg4 : memref<16xf32, #tpu.memory_space<hbm>>) dst(%arg9 : memref<16xf32, #tpu.memory_space<vmem>>)
      tpu.yield
    }) : () -> ()
    "tpu.region"() ({
      %run_scoped3A = tpu.sem_alloc : memref<!tpu.dma_semaphore, #tpu.memory_space<semaphore_mem>>
      %dma_start3A = arith.constant 0 : i32
      %dma_start3A_8 = arith.constant 0 : i32
      %dma_start3A_9 = tpu.memref_slice %arg2[%add3A, %dma_start3A, %dma_start3A_8] : memref<32x26x512xi32, #tpu.memory_space<hbm>> -> memref<1x26x512xi32, #tpu.memory_space<hbm>>
      %dma_start3A_10 = tpu.memref_squeeze %dma_start3A_9 : memref<1x26x512xi32, #tpu.memory_space<hbm>> -> memref<26x512xi32, #tpu.memory_space<hbm>>
      %dma_start3A_11 = arith.constant 0 : i32
      %dma_start3A_12 = arith.constant 0 : i32
      %dma_start3A_13 = tpu.memref_slice %arg2[%add3A, %dma_start3A_11, %dma_start3A_12] : memref<32x26x512xi32, #tpu.memory_space<hbm>> -> memref<1x26x512xi32, #tpu.memory_space<hbm>>
      %dma_start3A_14 = tpu.memref_squeeze %dma_start3A_13 : memref<1x26x512xi32, #tpu.memory_space<hbm>> -> memref<26x512xi32, #tpu.memory_space<hbm>>
      tpu.enqueue_dma source(%dma_start3A_14 : memref<26x512xi32, #tpu.memory_space<hbm>>) target(%arg7 : memref<26x512xi32, #tpu.memory_space<vmem>>) target_semaphore(%run_scoped3A : memref<!tpu.dma_semaphore, #tpu.memory_space<semaphore_mem>>)
      %dma_wait3A = arith.constant 0 : i32
      %dma_wait3A_15 = arith.constant 0 : i32
      %dma_wait3A_16 = tpu.memref_slice %arg2[%add3A, %dma_wait3A, %dma_wait3A_15] : memref<32x26x512xi32, #tpu.memory_space<hbm>> -> memref<1x26x512xi32, #tpu.memory_space<hbm>>
      %dma_wait3A_17 = tpu.memref_squeeze %dma_wait3A_16 : memref<1x26x512xi32, #tpu.memory_space<hbm>> -> memref<26x512xi32, #tpu.memory_space<hbm>>
      %dma_wait3A_18 = arith.constant 0 : i32
      %dma_wait3A_19 = arith.constant 0 : i32
      %dma_wait3A_20 = tpu.memref_slice %arg2[%add3A, %dma_wait3A_18, %dma_wait3A_19] : memref<32x26x512xi32, #tpu.memory_space<hbm>> -> memref<1x26x512xi32, #tpu.memory_space<hbm>>
      %dma_wait3A_21 = tpu.memref_squeeze %dma_wait3A_20 : memref<1x26x512xi32, #tpu.memory_space<hbm>> -> memref<26x512xi32, #tpu.memory_space<hbm>>
      tpu.wait_dma2 semaphore(%run_scoped3A : memref<!tpu.dma_semaphore, #tpu.memory_space<semaphore_mem>>) src(%dma_wait3A_21 : memref<26x512xi32, #tpu.memory_space<hbm>>) dst(%arg7 : memref<26x512xi32, #tpu.memory_space<vmem>>)
      tpu.yield
    }) : () -> ()
    %get3A = arith.constant 0 : index
    %get3A_3 = tpu.vector_load %arg9[%get3A] {strides = array<i32>} : memref<16xf32, #tpu.memory_space<vmem>>, vector<16xf32>,
    %scan3A = arith.constant 0 : i32
    %scan3A_4 = arith.constant 32 : i32
    %scan3A_5 = arith.addi %scan3A, %scan3A_4 : i32
    %scan3A_6 = arith.constant 1 : i32
    scf.for %scan3A_8 = %scan3A to %scan3A_5 step %scan3A_6  : i32 {
      %mul3A_9 = arith.constant 16 : i32
      %mul3A_10 = arith.muli %scan3A_8, %mul3A_9 : i32
      %get3A_11 = arith.constant 0 : i32
      %get3A_12 = arith.index_cast %get3A_11 : i32 to index
      %get3A_13 = arith.index_cast %mul3A_10 : i32 to index
      %get3A_14 = tpu.vector_load %arg7[%get3A_12, %get3A_13] {strides = array<i32>} : memref<26x512xi32, #tpu.memory_space<vmem>>, vector<16xi32>,
      %add3A_15 = arith.constant 0 : i32
      %add3A_16 = vector.broadcast %add3A_15 : i32 to vector<16xi32>
      %add3A_17 = arith.addi %get3A_14, %add3A_16 : vector<16xi32>
      %gather3A = tpu.vector_load_idx %arg6[%add3A_17] : memref<832xf32, #tpu.memory_space<vmem>>[vector<16xi32>], vector<16xf32>,
      %add3A_18 = arith.addf %get3A_3, %gather3A : vector<16xf32>
      %get3A_19 = arith.constant 1 : i32
      %get3A_20 = arith.index_cast %get3A_19 : i32 to index
      %get3A_21 = arith.index_cast %mul3A_10 : i32 to index
      %get3A_22 = tpu.vector_load %arg7[%get3A_20, %get3A_21] {strides = array<i32>} : memref<26x512xi32, #tpu.memory_space<vmem>>, vector<16xi32>,
      %add3A_23 = arith.constant 32 : i32
      %add3A_24 = vector.broadcast %add3A_23 : i32 to vector<16xi32>
      %add3A_25 = arith.addi %get3A_22, %add3A_24 : vector<16xi32>
      %gather3A_26 = tpu.vector_load_idx %arg6[%add3A_25] : memref<832xf32, #tpu.memory_space<vmem>>[vector<16xi32>], vector<16xf32>,
      %add3A_27 = arith.addf %add3A_18, %gather3A_26 : vector<16xf32>
      %get3A_28 = arith.constant 2 : i32
      %get3A_29 = arith.index_cast %get3A_28 : i32 to index
      %get3A_30 = arith.index_cast %mul3A_10 : i32 to index
      %get3A_31 = tpu.vector_load %arg7[%get3A_29, %get3A_30] {strides = array<i32>} : memref<26x512xi32, #tpu.memory_space<vmem>>, vector<16xi32>,
      %add3A_32 = arith.constant 64 : i32
      %add3A_33 = vector.broadcast %add3A_32 : i32 to vector<16xi32>
      %add3A_34 = arith.addi %get3A_31, %add3A_33 : vector<16xi32>
      %gather3A_35 = tpu.vector_load_idx %arg6[%add3A_34] : memref<832xf32, #tpu.memory_space<vmem>>[vector<16xi32>], vector<16xf32>,
      %add3A_36 = arith.addf %add3A_27, %gather3A_35 : vector<16xf32>
      %get3A_37 = arith.constant 3 : i32
      %get3A_38 = arith.index_cast %get3A_37 : i32 to index
      %get3A_39 = arith.index_cast %mul3A_10 : i32 to index
      %get3A_40 = tpu.vector_load %arg7[%get3A_38, %get3A_39] {strides = array<i32>} : memref<26x512xi32, #tpu.memory_space<vmem>>, vector<16xi32>,
      %add3A_41 = arith.constant 96 : i32
      %add3A_42 = vector.broadcast %add3A_41 : i32 to vector<16xi32>
      %add3A_43 = arith.addi %get3A_40, %add3A_42 : vector<16xi32>
      %gather3A_44 = tpu.vector_load_idx %arg6[%add3A_43] : memref<832xf32, #tpu.memory_space<vmem>>[vector<16xi32>], vector<16xf32>,
      %add3A_45 = arith.addf %add3A_36, %gather3A_44 : vector<16xf32>
      %get3A_46 = arith.constant 4 : i32
      %get3A_47 = arith.index_cast %get3A_46 : i32 to index
      %get3A_48 = arith.index_cast %mul3A_10 : i32 to index
      %get3A_49 = tpu.vector_load %arg7[%get3A_47, %get3A_48] {strides = array<i32>} : memref<26x512xi32, #tpu.memory_space<vmem>>, vector<16xi32>,
      %add3A_50 = arith.constant 128 : i32
      %add3A_51 = vector.broadcast %add3A_50 : i32 to vector<16xi32>
      %add3A_52 = arith.addi %get3A_49, %add3A_51 : vector<16xi32>
      %gather3A_53 = tpu.vector_load_idx %arg6[%add3A_52] : memref<832xf32, #tpu.memory_space<vmem>>[vector<16xi32>], vector<16xf32>,
      %add3A_54 = arith.addf %add3A_45, %gather3A_53 : vector<16xf32>
      %get3A_55 = arith.constant 5 : i32
      %get3A_56 = arith.index_cast %get3A_55 : i32 to index
      %get3A_57 = arith.index_cast %mul3A_10 : i32 to index
      %get3A_58 = tpu.vector_load %arg7[%get3A_56, %get3A_57] {strides = array<i32>} : memref<26x512xi32, #tpu.memory_space<vmem>>, vector<16xi32>,
      %add3A_59 = arith.constant 160 : i32
      %add3A_60 = vector.broadcast %add3A_59 : i32 to vector<16xi32>
      %add3A_61 = arith.addi %get3A_58, %add3A_60 : vector<16xi32>
      %gather3A_62 = tpu.vector_load_idx %arg6[%add3A_61] : memref<832xf32, #tpu.memory_space<vmem>>[vector<16xi32>], vector<16xf32>,
      %add3A_63 = arith.addf %add3A_54, %gather3A_62 : vector<16xf32>
      %get3A_64 = arith.constant 6 : i32
      %get3A_65 = arith.index_cast %get3A_64 : i32 to index
      %get3A_66 = arith.index_cast %mul3A_10 : i32 to index
      %get3A_67 = tpu.vector_load %arg7[%get3A_65, %get3A_66] {strides = array<i32>} : memref<26x512xi32, #tpu.memory_space<vmem>>, vector<16xi32>,
      %add3A_68 = arith.constant 192 : i32
      %add3A_69 = vector.broadcast %add3A_68 : i32 to vector<16xi32>
      %add3A_70 = arith.addi %get3A_67, %add3A_69 : vector<16xi32>
      %gather3A_71 = tpu.vector_load_idx %arg6[%add3A_70] : memref<832xf32, #tpu.memory_space<vmem>>[vector<16xi32>], vector<16xf32>,
      %add3A_72 = arith.addf %add3A_63, %gather3A_71 : vector<16xf32>
      %get3A_73 = arith.constant 7 : i32
      %get3A_74 = arith.index_cast %get3A_73 : i32 to index
      %get3A_75 = arith.index_cast %mul3A_10 : i32 to index
      %get3A_76 = tpu.vector_load %arg7[%get3A_74, %get3A_75] {strides = array<i32>} : memref<26x512xi32, #tpu.memory_space<vmem>>, vector<16xi32>,
      %add3A_77 = arith.constant 224 : i32
      %add3A_78 = vector.broadcast %add3A_77 : i32 to vector<16xi32>
      %add3A_79 = arith.addi %get3A_76, %add3A_78 : vector<16xi32>
      %gather3A_80 = tpu.vector_load_idx %arg6[%add3A_79] : memref<832xf32, #tpu.memory_space<vmem>>[vector<16xi32>], vector<16xf32>,
      %add3A_81 = arith.addf %add3A_72, %gather3A_80 : vector<16xf32>
      %get3A_82 = arith.constant 8 : i32
      %get3A_83 = arith.index_cast %get3A_82 : i32 to index
      %get3A_84 = arith.index_cast %mul3A_10 : i32 to index
      %get3A_85 = tpu.vector_load %arg7[%get3A_83, %get3A_84] {strides = array<i32>} : memref<26x512xi32, #tpu.memory_space<vmem>>, vector<16xi32>,
      %add3A_86 = arith.constant 256 : i32
      %add3A_87 = vector.broadcast %add3A_86 : i32 to vector<16xi32>
      %add3A_88 = arith.addi %get3A_85, %add3A_87 : vector<16xi32>
      %gather3A_89 = tpu.vector_load_idx %arg6[%add3A_88] : memref<832xf32, #tpu.memory_space<vmem>>[vector<16xi32>], vector<16xf32>,
      %add3A_90 = arith.addf %add3A_81, %gather3A_89 : vector<16xf32>
      %get3A_91 = arith.constant 9 : i32
      %get3A_92 = arith.index_cast %get3A_91 : i32 to index
      %get3A_93 = arith.index_cast %mul3A_10 : i32 to index
      %get3A_94 = tpu.vector_load %arg7[%get3A_92, %get3A_93] {strides = array<i32>} : memref<26x512xi32, #tpu.memory_space<vmem>>, vector<16xi32>,
      %add3A_95 = arith.constant 288 : i32
      %add3A_96 = vector.broadcast %add3A_95 : i32 to vector<16xi32>
      %add3A_97 = arith.addi %get3A_94, %add3A_96 : vector<16xi32>
      %gather3A_98 = tpu.vector_load_idx %arg6[%add3A_97] : memref<832xf32, #tpu.memory_space<vmem>>[vector<16xi32>], vector<16xf32>,
      %add3A_99 = arith.addf %add3A_90, %gather3A_98 : vector<16xf32>
      %get3A_100 = arith.constant 10 : i32
      %get3A_101 = arith.index_cast %get3A_100 : i32 to index
      %get3A_102 = arith.index_cast %mul3A_10 : i32 to index
      %get3A_103 = tpu.vector_load %arg7[%get3A_101, %get3A_102] {strides = array<i32>} : memref<26x512xi32, #tpu.memory_space<vmem>>, vector<16xi32>,
      %add3A_104 = arith.constant 320 : i32
      %add3A_105 = vector.broadcast %add3A_104 : i32 to vector<16xi32>
      %add3A_106 = arith.addi %get3A_103, %add3A_105 : vector<16xi32>
      %gather3A_107 = tpu.vector_load_idx %arg6[%add3A_106] : memref<832xf32, #tpu.memory_space<vmem>>[vector<16xi32>], vector<16xf32>,
      %add3A_108 = arith.addf %add3A_99, %gather3A_107 : vector<16xf32>
      %get3A_109 = arith.constant 11 : i32
      %get3A_110 = arith.index_cast %get3A_109 : i32 to index
      %get3A_111 = arith.index_cast %mul3A_10 : i32 to index
      %get3A_112 = tpu.vector_load %arg7[%get3A_110, %get3A_111] {strides = array<i32>} : memref<26x512xi32, #tpu.memory_space<vmem>>, vector<16xi32>,
      %add3A_113 = arith.constant 352 : i32
      %add3A_114 = vector.broadcast %add3A_113 : i32 to vector<16xi32>
      %add3A_115 = arith.addi %get3A_112, %add3A_114 : vector<16xi32>
      %gather3A_116 = tpu.vector_load_idx %arg6[%add3A_115] : memref<832xf32, #tpu.memory_space<vmem>>[vector<16xi32>], vector<16xf32>,
      %add3A_117 = arith.addf %add3A_108, %gather3A_116 : vector<16xf32>
      %get3A_118 = arith.constant 12 : i32
      %get3A_119 = arith.index_cast %get3A_118 : i32 to index
      %get3A_120 = arith.index_cast %mul3A_10 : i32 to index
      %get3A_121 = tpu.vector_load %arg7[%get3A_119, %get3A_120] {strides = array<i32>} : memref<26x512xi32, #tpu.memory_space<vmem>>, vector<16xi32>,
      %add3A_122 = arith.constant 384 : i32
      %add3A_123 = vector.broadcast %add3A_122 : i32 to vector<16xi32>
      %add3A_124 = arith.addi %get3A_121, %add3A_123 : vector<16xi32>
      %gather3A_125 = tpu.vector_load_idx %arg6[%add3A_124] : memref<832xf32, #tpu.memory_space<vmem>>[vector<16xi32>], vector<16xf32>,
      %add3A_126 = arith.addf %add3A_117, %gather3A_125 : vector<16xf32>
      %get3A_127 = arith.constant 13 : i32
      %get3A_128 = arith.index_cast %get3A_127 : i32 to index
      %get3A_129 = arith.index_cast %mul3A_10 : i32 to index
      %get3A_130 = tpu.vector_load %arg7[%get3A_128, %get3A_129] {strides = array<i32>} : memref<26x512xi32, #tpu.memory_space<vmem>>, vector<16xi32>,
      %add3A_131 = arith.constant 416 : i32
      %add3A_132 = vector.broadcast %add3A_131 : i32 to vector<16xi32>
      %add3A_133 = arith.addi %get3A_130, %add3A_132 : vector<16xi32>
      %gather3A_134 = tpu.vector_load_idx %arg6[%add3A_133] : memref<832xf32, #tpu.memory_space<vmem>>[vector<16xi32>], vector<16xf32>,
      %add3A_135 = arith.addf %add3A_126, %gather3A_134 : vector<16xf32>
      %get3A_136 = arith.constant 14 : i32
      %get3A_137 = arith.index_cast %get3A_136 : i32 to index
      %get3A_138 = arith.index_cast %mul3A_10 : i32 to index
      %get3A_139 = tpu.vector_load %arg7[%get3A_137, %get3A_138] {strides = array<i32>} : memref<26x512xi32, #tpu.memory_space<vmem>>, vector<16xi32>,
      %add3A_140 = arith.constant 448 : i32
      %add3A_141 = vector.broadcast %add3A_140 : i32 to vector<16xi32>
      %add3A_142 = arith.addi %get3A_139, %add3A_141 : vector<16xi32>
      %gather3A_143 = tpu.vector_load_idx %arg6[%add3A_142] : memref<832xf32, #tpu.memory_space<vmem>>[vector<16xi32>], vector<16xf32>,
      %add3A_144 = arith.addf %add3A_135, %gather3A_143 : vector<16xf32>
      %get3A_145 = arith.constant 15 : i32
      %get3A_146 = arith.index_cast %get3A_145 : i32 to index
      %get3A_147 = arith.index_cast %mul3A_10 : i32 to index
      %get3A_148 = tpu.vector_load %arg7[%get3A_146, %get3A_147] {strides = array<i32>} : memref<26x512xi32, #tpu.memory_space<vmem>>, vector<16xi32>,
      %add3A_149 = arith.constant 480 : i32
      %add3A_150 = vector.broadcast %add3A_149 : i32 to vector<16xi32>
      %add3A_151 = arith.addi %get3A_148, %add3A_150 : vector<16xi32>
      %gather3A_152 = tpu.vector_load_idx %arg6[%add3A_151] : memref<832xf32, #tpu.memory_space<vmem>>[vector<16xi32>], vector<16xf32>,
      %add3A_153 = arith.addf %add3A_144, %gather3A_152 : vector<16xf32>
      %get3A_154 = arith.constant 16 : i32
      %get3A_155 = arith.index_cast %get3A_154 : i32 to index
      %get3A_156 = arith.index_cast %mul3A_10 : i32 to index
      %get3A_157 = tpu.vector_load %arg7[%get3A_155, %get3A_156] {strides = array<i32>} : memref<26x512xi32, #tpu.memory_space<vmem>>, vector<16xi32>,
      %add3A_158 = arith.constant 512 : i32
      %add3A_159 = vector.broadcast %add3A_158 : i32 to vector<16xi32>
      %add3A_160 = arith.addi %get3A_157, %add3A_159 : vector<16xi32>
      %gather3A_161 = tpu.vector_load_idx %arg6[%add3A_160] : memref<832xf32, #tpu.memory_space<vmem>>[vector<16xi32>], vector<16xf32>,
      %add3A_162 = arith.addf %add3A_153, %gather3A_161 : vector<16xf32>
      %get3A_163 = arith.constant 17 : i32
      %get3A_164 = arith.index_cast %get3A_163 : i32 to index
      %get3A_165 = arith.index_cast %mul3A_10 : i32 to index
      %get3A_166 = tpu.vector_load %arg7[%get3A_164, %get3A_165] {strides = array<i32>} : memref<26x512xi32, #tpu.memory_space<vmem>>, vector<16xi32>,
      %add3A_167 = arith.constant 544 : i32
      %add3A_168 = vector.broadcast %add3A_167 : i32 to vector<16xi32>
      %add3A_169 = arith.addi %get3A_166, %add3A_168 : vector<16xi32>
      %gather3A_170 = tpu.vector_load_idx %arg6[%add3A_169] : memref<832xf32, #tpu.memory_space<vmem>>[vector<16xi32>], vector<16xf32>,
      %add3A_171 = arith.addf %add3A_162, %gather3A_170 : vector<16xf32>
      %get3A_172 = arith.constant 18 : i32
      %get3A_173 = arith.index_cast %get3A_172 : i32 to index
      %get3A_174 = arith.index_cast %mul3A_10 : i32 to index
      %get3A_175 = tpu.vector_load %arg7[%get3A_173, %get3A_174] {strides = array<i32>} : memref<26x512xi32, #tpu.memory_space<vmem>>, vector<16xi32>,
      %add3A_176 = arith.constant 576 : i32
      %add3A_177 = vector.broadcast %add3A_176 : i32 to vector<16xi32>
      %add3A_178 = arith.addi %get3A_175, %add3A_177 : vector<16xi32>
      %gather3A_179 = tpu.vector_load_idx %arg6[%add3A_178] : memref<832xf32, #tpu.memory_space<vmem>>[vector<16xi32>], vector<16xf32>,
      %add3A_180 = arith.addf %add3A_171, %gather3A_179 : vector<16xf32>
      %get3A_181 = arith.constant 19 : i32
      %get3A_182 = arith.index_cast %get3A_181 : i32 to index
      %get3A_183 = arith.index_cast %mul3A_10 : i32 to index
      %get3A_184 = tpu.vector_load %arg7[%get3A_182, %get3A_183] {strides = array<i32>} : memref<26x512xi32, #tpu.memory_space<vmem>>, vector<16xi32>,
      %add3A_185 = arith.constant 608 : i32
      %add3A_186 = vector.broadcast %add3A_185 : i32 to vector<16xi32>
      %add3A_187 = arith.addi %get3A_184, %add3A_186 : vector<16xi32>
      %gather3A_188 = tpu.vector_load_idx %arg6[%add3A_187] : memref<832xf32, #tpu.memory_space<vmem>>[vector<16xi32>], vector<16xf32>,
      %add3A_189 = arith.addf %add3A_180, %gather3A_188 : vector<16xf32>
      %get3A_190 = arith.constant 20 : i32
      %get3A_191 = arith.index_cast %get3A_190 : i32 to index
      %get3A_192 = arith.index_cast %mul3A_10 : i32 to index
      %get3A_193 = tpu.vector_load %arg7[%get3A_191, %get3A_192] {strides = array<i32>} : memref<26x512xi32, #tpu.memory_space<vmem>>, vector<16xi32>,
      %add3A_194 = arith.constant 640 : i32
      %add3A_195 = vector.broadcast %add3A_194 : i32 to vector<16xi32>
      %add3A_196 = arith.addi %get3A_193, %add3A_195 : vector<16xi32>
      %gather3A_197 = tpu.vector_load_idx %arg6[%add3A_196] : memref<832xf32, #tpu.memory_space<vmem>>[vector<16xi32>], vector<16xf32>,
      %add3A_198 = arith.addf %add3A_189, %gather3A_197 : vector<16xf32>
      %get3A_199 = arith.constant 21 : i32
      %get3A_200 = arith.index_cast %get3A_199 : i32 to index
      %get3A_201 = arith.index_cast %mul3A_10 : i32 to index
      %get3A_202 = tpu.vector_load %arg7[%get3A_200, %get3A_201] {strides = array<i32>} : memref<26x512xi32, #tpu.memory_space<vmem>>, vector<16xi32>,
      %add3A_203 = arith.constant 672 : i32
      %add3A_204 = vector.broadcast %add3A_203 : i32 to vector<16xi32>
      %add3A_205 = arith.addi %get3A_202, %add3A_204 : vector<16xi32>
      %gather3A_206 = tpu.vector_load_idx %arg6[%add3A_205] : memref<832xf32, #tpu.memory_space<vmem>>[vector<16xi32>], vector<16xf32>,
      %add3A_207 = arith.addf %add3A_198, %gather3A_206 : vector<16xf32>
      %get3A_208 = arith.constant 22 : i32
      %get3A_209 = arith.index_cast %get3A_208 : i32 to index
      %get3A_210 = arith.index_cast %mul3A_10 : i32 to index
      %get3A_211 = tpu.vector_load %arg7[%get3A_209, %get3A_210] {strides = array<i32>} : memref<26x512xi32, #tpu.memory_space<vmem>>, vector<16xi32>,
      %add3A_212 = arith.constant 704 : i32
      %add3A_213 = vector.broadcast %add3A_212 : i32 to vector<16xi32>
      %add3A_214 = arith.addi %get3A_211, %add3A_213 : vector<16xi32>
      %gather3A_215 = tpu.vector_load_idx %arg6[%add3A_214] : memref<832xf32, #tpu.memory_space<vmem>>[vector<16xi32>], vector<16xf32>,
      %add3A_216 = arith.addf %add3A_207, %gather3A_215 : vector<16xf32>
      %get3A_217 = arith.constant 23 : i32
      %get3A_218 = arith.index_cast %get3A_217 : i32 to index
      %get3A_219 = arith.index_cast %mul3A_10 : i32 to index
      %get3A_220 = tpu.vector_load %arg7[%get3A_218, %get3A_219] {strides = array<i32>} : memref<26x512xi32, #tpu.memory_space<vmem>>, vector<16xi32>,
      %add3A_221 = arith.constant 736 : i32
      %add3A_222 = vector.broadcast %add3A_221 : i32 to vector<16xi32>
      %add3A_223 = arith.addi %get3A_220, %add3A_222 : vector<16xi32>
      %gather3A_224 = tpu.vector_load_idx %arg6[%add3A_223] : memref<832xf32, #tpu.memory_space<vmem>>[vector<16xi32>], vector<16xf32>,
      %add3A_225 = arith.addf %add3A_216, %gather3A_224 : vector<16xf32>
      %get3A_226 = arith.constant 24 : i32
      %get3A_227 = arith.index_cast %get3A_226 : i32 to index
      %get3A_228 = arith.index_cast %mul3A_10 : i32 to index
      %get3A_229 = tpu.vector_load %arg7[%get3A_227, %get3A_228] {strides = array<i32>} : memref<26x512xi32, #tpu.memory_space<vmem>>, vector<16xi32>,
      %add3A_230 = arith.constant 768 : i32
      %add3A_231 = vector.broadcast %add3A_230 : i32 to vector<16xi32>
      %add3A_232 = arith.addi %get3A_229, %add3A_231 : vector<16xi32>
      %gather3A_233 = tpu.vector_load_idx %arg6[%add3A_232] : memref<832xf32, #tpu.memory_space<vmem>>[vector<16xi32>], vector<16xf32>,
      %add3A_234 = arith.addf %add3A_225, %gather3A_233 : vector<16xf32>
      %get3A_235 = arith.constant 25 : i32
      %get3A_236 = arith.index_cast %get3A_235 : i32 to index
      %get3A_237 = arith.index_cast %mul3A_10 : i32 to index
      %get3A_238 = tpu.vector_load %arg7[%get3A_236, %get3A_237] {strides = array<i32>} : memref<26x512xi32, #tpu.memory_space<vmem>>, vector<16xi32>,
      %add3A_239 = arith.constant 800 : i32
      %add3A_240 = vector.broadcast %add3A_239 : i32 to vector<16xi32>
      %add3A_241 = arith.addi %get3A_238, %add3A_240 : vector<16xi32>
      %gather3A_242 = tpu.vector_load_idx %arg6[%add3A_241] : memref<832xf32, #tpu.memory_space<vmem>>[vector<16xi32>], vector<16xf32>,
      %add3A_243 = arith.addf %add3A_234, %gather3A_242 : vector<16xf32>
      %swap3A = arith.index_cast %mul3A_10 : i32 to index
      %swap3A_244 = tpu.vector_load %arg8[%swap3A] {strides = array<i32>} : memref<512xf32, #tpu.memory_space<vmem>>, vector<16xf32>,
      tpu.vector_store %arg8[%swap3A], %add3A_243 {strides = array<i32>} : memref<512xf32, #tpu.memory_space<vmem>>, vector<16xf32>,
    }
    %scan3A_7 = arith.constant 32 : i32
    "tpu.region"() ({
      %run_scoped3A = tpu.sem_alloc : memref<!tpu.dma_semaphore, #tpu.memory_space<semaphore_mem>>
      %dma_start3A = tpu.memref_slice %arg5[%mul3A_2] : memref<16384xf32, #tpu.memory_space<hbm>> -> memref<512xf32, #tpu.memory_space<hbm>>
      %dma_start3A_8 = tpu.memref_slice %arg5[%mul3A_2] : memref<16384xf32, #tpu.memory_space<hbm>> -> memref<512xf32, #tpu.memory_space<hbm>>
      tpu.enqueue_dma source(%arg8 : memref<512xf32, #tpu.memory_space<vmem>>) target(%dma_start3A_8 : memref<512xf32, #tpu.memory_space<hbm>>) target_semaphore(%run_scoped3A : memref<!tpu.dma_semaphore, #tpu.memory_space<semaphore_mem>>)
      %dma_wait3A = tpu.memref_slice %arg5[%mul3A_2] : memref<16384xf32, #tpu.memory_space<hbm>> -> memref<512xf32, #tpu.memory_space<hbm>>
      %dma_wait3A_9 = tpu.memref_slice %arg5[%mul3A_2] : memref<16384xf32, #tpu.memory_space<hbm>> -> memref<512xf32, #tpu.memory_space<hbm>>
      tpu.wait_dma2 semaphore(%run_scoped3A : memref<!tpu.dma_semaphore, #tpu.memory_space<semaphore_mem>>) src(%arg8 : memref<512xf32, #tpu.memory_space<vmem>>) dst(%dma_wait3A_9 : memref<512xf32, #tpu.memory_space<hbm>>)
      tpu.yield
    }) : () -> ()
    return
  }
}

</mosaic_0001>

<sc_bundles>
// kernel: kernel.3.cloned.1.call-start
scs
__scs_entry_jumppad:
0x0: {  	(pc) =	sbr.rel $0x88, $3  }
0x1: {  	(tag) =	ssettag $0x0;
	lr =	simm.s32 $0x1  }
0x2: {  	[smem:$0x3F9E] =	sst lr;
	_ =	strace $0xD0000000  }
0x3: {  	_ = 	snop  }
0x4: {  	_ = 	snop  }
0x5: {  	_ = 	snop  }
0x6: {  	_ = 	snop  }
0x7: {  	_ = 	snop  }
__scs_overlays_trampoline_lowered:
0x8: {  	[smem:$0x3FAD] =	sst s0  }
0x9: {  	[smem:$0x3FAE] =	sst s1  }
0xa: {  	[smem:$0x3FAF] =	sst s2  }
0xb: {  	[smem:$0x3FB0] =	sst s3  }
0xc: {  	[smem:$0x3FB1] =	sst s4  }
0xd: {  	[smem:$0x3FB2] =	sst s5  }
0xe: {  	[smem:$0x3FB3] =	sst s6  }
0xf: {  	[smem:$0x3FB4] =	sst s7  }
0x10: {  	[smem:$0x3FB5] =	sst s8  }
0x11: {  	[smem:$0x3FB6] =	sst s9;
	s0 =	simm.s32 @!p0 $0x0  }
0x12: {  	s1 =	sld [smem:$0x3F9C];
	s0 =	simm.s32 @p0 $0x1  }
0x13: {  	[smem:$0x3FB7] =	sst s0;
	s0 =	simm.s32 @!p1 $0x0  }
0x14: {  	s2 =	sld [smem:$0x3F9B];
	s0 =	simm.s32 @p1 $0x1  }
0x15: {  	[smem:$0x3FB8] =	sst s0;
	s0 =	simm.s32 @!p2 $0x0  }
0x16: {  	s3 =	sld [smem:$0x3FDB];
	s0 =	simm.s32 @p2 $0x1  }
0x17: {  	s4 =	simm.s32 $0x1BF5;
	[smem:$0x3FBA] =	sst s0  }
0x18: {  	s0 =	sld [smem:$0x3F9D];
	_ =	swait.ge [sflag:s4], $0x0  }
0x19: {  	s7 =	sld [smem:$0x3F9E]  }
0x1a: {  	s8 =	sadd.s32 $0xFFFFE003, lr  }
0x1b: {  	s9 =	sadd.s32 $0xFFFFFEF7, lr;
	s5 =	simm.s32 $0xFFFFFFFF;
	p2 =	slt.u32 s8, $0xFFFFF086  }
0x1c: {  	p1 =	slt.u32 s9, $0xF7A;
	s5 =	simm.s32 @!p2 $0x0  }
0x1d: {  	s5 =	simm.s32 @p1 $0x1;
	p0 =	seq.s32 s7, s2  }
0x1e: {  	s7 =	smul.u32 @!p0 $0xF7A, s2;
	p2 =	seq.s32 @!p0 s5, $0x0  }
0x1f: {  	s9 =	smul.u32 $0xF7A, s1;
	s8 =	simm.s32 @!p0 $0x1BF5;
	p2 =	por !p2, p0  }
0x20: {  	[sflag:s8] =	ssyncset.s32 @!p0 $0xFFFFF086;
	s6 =	sadd.s32 @!p0 s3, s7;
	s7 =	simm.s32 @!p0 $0x108  }
0x21: {  	s3 =	sadd.s32 s3, s9;
	s6 =	sadd.s32 @!p0 $0x88, s6;
	s7 =	simm.s32 @p2 $0x1082  }
0x22: {  	[simem:s7], [sflag:s8] =	dma.local @!p0 [hbm:s6], $0xF7A  }
0x23: {  	s9 =	sor.u32 $0xD0000000, s2;
	s6 =	simm.s32 $0x108;
	_ =	swait.ge @!p0 [sflag:s8], $0x0  }
0x24: {  	s3 =	sadd.s32 $0x88, s3;
	s6 =	simm.s32 @!p1 $0x1082;
	[sflag:s4] =	ssyncset.s32 $0xFFFFF086  }
0x25: {  	[simem:s6], [sflag:s4] =	dma.local [hbm:s3], $0xF7A  }
0x26: {  	[smem:$0x3F9E] =	sst s1;
	(tag) =	ssettag s2;
	_ =	strace s9  }
0x27: {  	s1 =	sld [smem:$0x3FAE]  }
0x28: {  	s2 =	sld [smem:$0x3FAF]  }
0x29: {  	s4 =	sld [smem:$0x3FB1]  }
0x2a: {  	p0 =	seq.s32 s5, $0x0;
	s5 =	sld [smem:$0x3FB2]  }
0x2b: {  	s6 =	sld [smem:$0x3FB3]  }
0x2c: {  	s7 =	sld [smem:$0x3FB4]  }
0x2d: {  	s3 =	simm.s32 $0x108;
	s8 =	sld [smem:$0x3FB5]  }
0x2e: {  	s3 =	simm.s32 @!p0 $0x1082;
	s9 =	sld [smem:$0x3FB6]  }
0x2f: {  	lr =	sadd.s32 s0, s3;
	s0 =	sld [smem:$0x3FAD]  }
0x30: {  	s3 =	sld [smem:$0x3FB0]  }
0x31: {  	[smem:$0x3FB9] =	sst s10  }
0x32: {  	s10 =	sld [smem:$0x3FB7];
	_ =	sdelay $0x3  }
0x33: {  	p0 =	seq.s32 s10, $0x1;
	s10 =	sld [smem:$0x3FB9];
	_ =	sdelay $0x3  }
0x34: {  	[smem:$0x3FB9] =	sst s10  }
0x35: {  	s10 =	sld [smem:$0x3FB8];
	_ =	sdelay $0x3  }
0x36: {  	p1 =	seq.s32 s10, $0x1;
	s10 =	sld [smem:$0x3FB9];
	_ =	sdelay $0x3  }
0x37: {  	[smem:$0x3FB9] =	sst s10  }
0x38: {  	s10 =	sld [smem:$0x3FBA]  }
0x39: {  	_ = 	snop;
	(pc) =	sbr.ind lr, $3  }
0x3a: {  	_ = 	snop  }
0x3b: {  	_ = 	snop  }
0x3c: {  	p2 =	seq.s32 s10, $0x1;
	s10 =	sld [smem:$0x3FB9]  }
0x3d: {  	_ =	shalt  }
0x3e: {  	_ =	shalt  }
0x3f: {  	_ =	shalt  }
0x40: {  	_ =	shalt  }
0x41: {  	_ =	shalt  }
0x42: {  	_ =	shalt  }
0x43: {  	_ =	shalt  }
0x44: {  	_ =	shalt  }
0x45: {  	_ =	shalt  }
0x46: {  	_ =	shalt  }
0x47: {  	_ =	shalt  }
0x48: {  	_ =	shalt  }
0x49: {  	_ =	shalt  }
0x4a: {  	_ =	shalt  }
0x4b: {  	_ =	shalt  }
0x4c: {  	_ =	shalt  }
0x4d: {  	_ =	shalt  }
0x4e: {  	_ =	shalt  }
0x4f: {  	_ =	shalt  }
0x50: {  	_ =	shalt  }
0x51: {  	_ =	shalt  }
0x52: {  	_ =	shalt  }
0x53: {  	_ =	shalt  }
0x54: {  	_ =	shalt  }
0x55: {  	_ =	shalt  }
0x56: {  	_ =	shalt  }
0x57: {  	_ =	shalt  }
0x58: {  	_ =	shalt  }
0x59: {  	_ =	shalt  }
0x5a: {  	_ =	shalt  }
0x5b: {  	_ =	shalt  }
0x5c: {  	_ =	shalt  }
0x5d: {  	_ =	shalt  }
0x5e: {  	_ =	shalt  }
0x5f: {  	_ =	shalt  }
0x60: {  	_ =	shalt  }
0x61: {  	_ =	shalt  }
0x62: {  	_ =	shalt  }
0x63: {  	_ =	shalt  }
0x64: {  	_ =	shalt  }
0x65: {  	_ =	shalt  }
0x66: {  	_ =	shalt  }
0x67: {  	_ =	shalt  }
0x68: {  	_ =	shalt  }
0x69: {  	_ =	shalt  }
0x6a: {  	_ =	shalt  }
0x6b: {  	_ =	shalt  }
0x6c: {  	_ =	shalt  }
0x6d: {  	_ =	shalt  }
0x6e: {  	_ =	shalt  }
0x6f: {  	_ =	shalt  }
0x70: {  	_ =	shalt  }
0x71: {  	_ =	shalt  }
0x72: {  	_ =	shalt  }
0x73: {  	_ =	shalt  }
0x74: {  	_ =	shalt  }
0x75: {  	_ =	shalt  }
0x76: {  	_ =	shalt  }
0x77: {  	_ =	shalt  }
0x78: {  	_ =	shalt  }
0x79: {  	_ =	shalt  }
0x7a: {  	_ =	shalt  }
0x7b: {  	_ =	shalt  }
0x7c: {  	_ =	shalt  }
0x7d: {  	_ =	shalt  }
0x7e: {  	_ =	shalt  }
0x7f: {  	_ =	shalt  }
0x80: {  	_ =	shalt  }
0x81: {  	_ =	shalt  }
0x82: {  	_ =	shalt  }
0x83: {  	_ =	shalt  }
0x84: {  	_ =	shalt  }
0x85: {  	_ =	shalt  }
0x86: {  	_ =	shalt  }
0x87: {  	_ =	shalt  }
.Lfunc_end0:
.L_simem_size_0:
called_computation_lowered:
.L_overlay_start_0:
0x88: {  	s2 =	sld [smem:$0x3FD9]  }
0x89: {  	s3 =	sld [smem:$0x3FFE];
	_ =	sdelay $0x1  }
0x8a: {  	s1 =	srdreg.scid  }
0x8b: {  	s0 =	sand.u32 $0x1, s1  }
0x8c: {  	s17 =	sshll.u32 s0, $0xA;
	s2 =	sadd.s32 s3, s2  }
0x8d: {  	s2 =	sadd.s32 s2, s17  }
0x8e: {  	[smem:$0x3FC5] =	sst s2  }
0x8f: {  	_ = 	snop  }
0x90: {  	s2 =	sld [smem:$0x3FD0];
	(tm) =	ssettm $0x1  }
0x91: {  	s18 =	sld [smem:$0x3FFB];
	_ =	sdelay $0x3  }
0x92: {  	_ =	strace s18  }
0x93: {  	s3 =	sld [smem:$0x3FFC];
	_ =	sdelay $0x3  }
0x94: {  	_ =	strace s3  }
0x95: {  	s3 =	sld [smem:$0x3FFD];
	_ =	sdelay $0x3  }
0x96: {  	_ =	strace s3  }
0x97: {  	_ =	strace $0x8FFFFFFF  }
0x98: {  	s19 =	sld [smem:$0x3FDB];
	_ =	sdelay $0x1  }
0x99: {  	s4 =	simm.s32 $_scs_section_size  }
0x9a: {  	s5 =	simm.s32 $_size__tile_overlayer_lowered;
	s6 =	simm.s32 $_tile_overlayer_lowered  }
0x9b: {  	s22 =	simm.s32 $0x1BFF;
	s21 =	sshll.u32 s6, $0x1;
	s3 =	sadd.s32 s4, s19  }
0x9c: {  	s7 =	simm.s32 $0x0;
	s20 =	sshll.u32 s5, $0x1;
	s5 =	sadd.s32 s21, s3  }
0x9d: {  	[timem:s7], [sflag:s22] =	dma.local [hbm:s5], s20  }
0x9e: {  	_ =	swait.ge [sflag:s22], s20  }
0x9f: {  	s4 =	ssub.s32 $0x0, s20;
	[sflag:s22] =	ssyncset.done $0x0  }
0xa0: {  	[sflag:s22] =	ssyncadd.s32 s4;
	_ =	sdelay $0x1  }
0xa1: {  	s23 =	simm.s32 $0x1B8B  }
0xa2: {  	_ =	swait.ge [sflag:s23], $0x1  }
0xa3: {  	[sflag:s23] =	ssyncset.done $0x0  }
0xa4: {  	s25 =	simm.s32 $0x1B8E;
	s24 =	sld [smem:$0x3FFE];
	[sflag:s23] =	ssyncadd.s32 $0xFFFFFFFF  }
0xa5: {  	s26 =	simm.s32 $execute0_lowered;
	[smem:$0x3FD2] =	sst s25  }
0xa6: {  	s5 =	sshll.u32 s26, $0x1;
	_ =	strace $0x80000046;
	[dreg:$0x1] =	wrdreg $0xFFFFFFFF  }
0xa7: {  	s28 =	simm.s32 $_size_execute0_lowered;
	s3 =	sadd.s32 s3, s5;
	[dreg:$0x0] =	wrdreg $0x0  }
0xa8: {  	s5 =	sshll.u32 s28, $0x1;
	[dreg:$0x2] =	wrdreg s3  }
0xa9: {  	[dreg:$0x3] =	wrdreg s5  }
0xaa: {  	[dreg:$0x4] =	wrdreg $0xC0  }
0xab: {  	_ =	task [dreg:s7], $0x5FFFF  }
0xac: {  	[dreg:$0x1] =	wrdreg $0xFFFFFFFF  }
0xad: {  	[dreg:$0x0] =	wrdreg $0x60  }
0xae: {  	[dreg:$0x2] =	wrdreg s24  }
0xaf: {  	[dreg:$0x3] =	wrdreg s2  }
0xb0: {  	[dreg:$0x4] =	wrdreg $0x9  }
0xb1: {  	_ =	task.clear_ibuf [dreg:s7], $0x5FFFF;
	_ =	strace $0x90000046  }
0xb2: {  	s29 =	simm.s32 $0x9;
	_ =	strace $0x80000048  }
0xb3: {  	_ =	swait.ge [sflag:s29], $0x1  }
0xb4: {  	[sflag:s29] =	ssyncadd.s32 $0xFFFFFFFF  }
0xb5: {  	_ =	strace $0x90000048  }
0xb6: {  	_ =	sfence  }
0xb7: {  	s30 =	sld [smem:$0x0];
	_ =	sdelay $0x2  }
0xb8: {  	s31 =	sshll.u32 s1, $0xD;
	s1 =	sshrl.u32 s1, $0x2  }
0xb9: {  	s3 =	sand.u32 $0x4000, s31;
	s1 =	sadd.s32 s1, s30  }
0xba: {  	s0 =	sor.u32 s3, s0;
	s1 =	sshll.u32 s1, $0x11  }
0xbb: {  	s0 =	sor.u32 s1, s0  }
0xbc: {  	s0 =	sadd.s32 $0x8F2B, s0  }
0xbd: {  	[sflag:s0] =	ssyncadd.remote.s32 $0x1  }
0xbe: {  	_ =	sfence.sel $0xFFFF  }
0xbf: {  	[dreg:$0x0] =	wrdreg $0xFFFFFFFF;
	(pc) =	sbr.abs _section_cstart, $3  }
0xc0: {  	[dreg:$0x1] =	wrdreg $0xFFFFFFFF  }
0xc1: {  	_ =	task.clear_ibuf [dreg:s7], $0x2FFFF;
	_ =	strace $0x9FFFFFFF  }
0xc2: {  	(tm) =	ssettm $0x7FFFFFFF  }
0xc3: {  	_ =	shalt  }
tec
execute0_lowered:
.L_overlay_start_1:
0x0: {  	(tag) =	ssettag $0x1  }
0x1: {  	s4 =	rddreg [dreg:$0x0]  }
0x2: {  	s6 =	rddreg [dreg:$0x1]  }
0x3: {  	s0 =	rddreg [dreg:$0x2]  }
0x4: {  	s3 =	srdreg.scid;
	s1 =	stileid.u32;
	s2 =	simm.s32 $0x0  }
0x5: {  	s10 =	simm.s32 $0x380;
	s11 =	simm.s32 $0x4380;
	s12 =	simm.s32 $0x0  }
0x6: {  	s5 =	sand.u32 $0x1, s3;
	s31 =	sshll.u32 s1, $0x1;
	[smem:$0x7FF] =	sst s2  }
0x7: {  	s7 =	sor.u32 s5, s31;
	_ =	strace $0x80000047;
	s5 =	ssub.s32 $0x2, s5  }
0x8: {  	s3 =	sshll.u32 s7, $0xB;
	s9 =	sshrl.u32 s5, $0x1;
	s7 =	sshll.u32 s7, $0x6  }
0x9: {  	s8 =	sadd.s32 s3, s4;
	s3 =	sadd.s32 $0x10200, s4;
	s4 =	sadd.s32 $0x10400, s4  }
0xa: {  	s9 =	ssub.s32 s5, s9;
	s6 =	sadd.s32 s6, s7;
	s5 =	sadd.s32 $0x200, s8  }
0xb: {  	s7 =	smax.u32 s9, $0x1;
	s8 =	simm.s32 $0x1;
	s9 =	simm.s32 $0x4580  }
.LBB2_1:
0xc: {  	[tilespmem:s2], [sflag:$0x1] =	stream.linear.gather [hbm4b:s3+s2], $0x380, $0x38;
	[tilespmem:$0x4600] =	vst v63  }
0xd: {  	_ =	swait.ge [sflag:s8], $0x380  }
0xe: {  	[sflag:s8] =	ssyncset.done $0x0  }
0xf: {  	[sflag:s8] =	ssyncadd.s32 $0xFFFFFC80  }
0x10: {  	[tilespmem:s9], [sflag:$0x1] =	stream.linear.gather [hbm4b:s4+s2], $0x80, $0x38;
	[tilespmem:$0x4600] =	vst v63  }
0x11: {  	_ =	swait.ge [sflag:s8], $0x80  }
0x12: {  	[sflag:s8] =	ssyncset.done $0x0  }
0x13: {  	[sflag:s8] =	ssyncadd.s32 $0xFFFFFF80  }
0x14: {  	[tilespmem:s10], [sflag:$0x1] =	stream.linear.gather [hbm4b:s5+s2], $0x4000, $0x38;
	[tilespmem:$0x4600] =	vst v63  }
0x15: {  	_ =	swait.ge [sflag:s8], $0x4000  }
0x16: {  	s13 =	sand.u32 $0x70, s2;
	s14 =	sand.u32 $0xC00, s2;
	[sflag:s8] =	ssyncset.done $0x0  }
0x17: {  	s13 =	sor.u32 s13, s14;
	[sflag:s8] =	ssyncadd.s32 $0xFFFFC000  }
0x18: {  	v1 =	vld [tilespmem:s13+$0x380]  }
0x19: {  	v2 =	vld [tilespmem:s13+$0x400];
	_ =	sdelay $0x1  }
0x1a: {  	v3 =	vld [tilespmem:s13+$0x480];
	_ =	sdelay $0x1  }
0x1b: {  	v4 =	vld [tilespmem:s13+$0x500]  }
0x1c: {  	v0 =	vld [tilespmem:$0x4580];
	v2 =	vadd.s32 $0x20, v2  }
0x1d: {  	v5 =	vld [tilespmem:s13+$0x580]  }
0x1e: {  	v6 =	vld [tilespmem:s13+$0x600];
	v3 =	vadd.s32 $0x40, v3  }
0x1f: {  	v1 =	vld.idx.msk [tilespmem:v1+s2+$0x0], $0xffff  }
0x20: {  	v7 =	vld [tilespmem:s13+$0x680];
	v4 =	vadd.s32 $0x60, v4  }
0x21: {  	v2 =	vld.idx.msk [tilespmem:v2+s2+$0x0], $0xffff  }
0x22: {  	v8 =	vld [tilespmem:s13+$0x700];
	v5 =	vadd.s32 $0x80, v5  }
0x23: {  	v3 =	vld.idx.msk [tilespmem:v3+s2+$0x0], $0xffff  }
0x24: {  	v9 =	vld [tilespmem:s13+$0x1380];
	v6 =	vadd.s32 $0xA0, v6;
	v1 =	vadd.f32 v1, v0  }
0x25: {  	v4 =	vld.idx.msk [tilespmem:v4+s2+$0x0], $0xffff  }
0x26: {  	v10 =	vld [tilespmem:s13+$0x1400];
	v7 =	vadd.s32 $0xC0, v7;
	v1 =	vadd.f32 v2, v1  }
0x27: {  	v2 =	vld.idx.msk [tilespmem:v5+s2+$0x0], $0xffff  }
0x28: {  	v23 =	vld [tilespmem:s13+$0x1480];
	v22 =	vadd.s32 $0xE0, v8;
	v1 =	vadd.f32 v3, v1  }
0x29: {  	v3 =	vld.idx.msk [tilespmem:v6+s2+$0x0], $0xffff  }
0x2a: {  	v25 =	vld [tilespmem:s13+$0x1500];
	v24 =	vadd.s32 $0x100, v9;
	v1 =	vadd.f32 v4, v1  }
0x2b: {  	v26 =	vld.idx.msk [tilespmem:v7+s2+$0x0], $0xffff  }
0x2c: {  	v28 =	vld [tilespmem:s13+$0x1580];
	v27 =	vadd.s32 $0x120, v10;
	v1 =	vadd.f32 v2, v1  }
0x2d: {  	v2 =	vld.idx.msk [tilespmem:v22+s2+$0x0], $0xffff  }
0x2e: {  	v30 =	vld [tilespmem:s13+$0x1600];
	v29 =	vadd.s32 $0x140, v23;
	v1 =	vadd.f32 v3, v1  }
0x2f: {  	v3 =	vld.idx.msk [tilespmem:v24+s2+$0x0], $0xffff  }
0x30: {  	v32 =	vld [tilespmem:s13+$0x1680];
	v31 =	vadd.s32 $0x160, v25;
	v1 =	vadd.f32 v26, v1  }
0x31: {  	v33 =	vld.idx.msk [tilespmem:v27+s2+$0x0], $0xffff  }
0x32: {  	v35 =	vld [tilespmem:s13+$0x1700];
	v34 =	vadd.s32 $0x180, v28;
	v1 =	vadd.f32 v2, v1  }
0x33: {  	v2 =	vld.idx.msk [tilespmem:v29+s2+$0x0], $0xffff  }
0x34: {  	v37 =	vld [tilespmem:s13+$0x2380];
	v36 =	vadd.s32 $0x1A0, v30;
	v1 =	vadd.f32 v3, v1  }
0x35: {  	v3 =	vld.idx.msk [tilespmem:v31+s2+$0x0], $0xffff  }
0x36: {  	v39 =	vld [tilespmem:s13+$0x2400];
	v38 =	vadd.s32 $0x1C0, v32;
	v1 =	vadd.f32 v33, v1  }
0x37: {  	v40 =	vld.idx.msk [tilespmem:v34+s2+$0x0], $0xffff  }
0x38: {  	v42 =	vld [tilespmem:s13+$0x2480];
	v41 =	vadd.s32 $0x1E0, v35;
	v1 =	vadd.f32 v2, v1  }
0x39: {  	v2 =	vld.idx.msk [tilespmem:v36+s2+$0x0], $0xffff  }
0x3a: {  	v44 =	vld [tilespmem:s13+$0x2500];
	v43 =	vadd.s32 $0x200, v37;
	v1 =	vadd.f32 v3, v1  }
0x3b: {  	v3 =	vld.idx.msk [tilespmem:v38+s2+$0x0], $0xffff  }
0x3c: {  	v46 =	vld [tilespmem:s13+$0x2580];
	v45 =	vadd.s32 $0x220, v39;
	v1 =	vadd.f32 v40, v1  }
0x3d: {  	v47 =	vld.idx.msk [tilespmem:v41+s2+$0x0], $0xffff  }
0x3e: {  	v49 =	vld [tilespmem:s13+$0x2600];
	v48 =	vadd.s32 $0x240, v42;
	v1 =	vadd.f32 v2, v1  }
0x3f: {  	v2 =	vld.idx.msk [tilespmem:v43+s2+$0x0], $0xffff  }
0x40: {  	v51 =	vld [tilespmem:s13+$0x2680];
	v50 =	vadd.s32 $0x260, v44;
	v1 =	vadd.f32 v3, v1  }
0x41: {  	v3 =	vld.idx.msk [tilespmem:v45+s2+$0x0], $0xffff  }
0x42: {  	v53 =	vld [tilespmem:s13+$0x2700];
	v52 =	vadd.s32 $0x280, v46;
	v1 =	vadd.f32 v47, v1  }
0x43: {  	v54 =	vld.idx.msk [tilespmem:v48+s2+$0x0], $0xffff  }
0x44: {  	v56 =	vld [tilespmem:s13+$0x3380];
	v55 =	vadd.s32 $0x2A0, v49;
	v1 =	vadd.f32 v2, v1  }
0x45: {  	v2 =	vld.idx.msk [tilespmem:v50+s2+$0x0], $0xffff  }
0x46: {  	v58 =	vld [tilespmem:s13+$0x3400];
	v57 =	vadd.s32 $0x2C0, v51;
	v1 =	vadd.f32 v3, v1  }
0x47: {  	v3 =	vld.idx.msk [tilespmem:v52+s2+$0x0], $0xffff  }
0x48: {  	v59 =	vadd.s32 $0x2E0, v53;
	v1 =	vadd.f32 v54, v1  }
0x49: {  	v60 =	vld.idx.msk [tilespmem:v55+s2+$0x0], $0xffff  }
0x4a: {  	v61 =	vadd.s32 $0x300, v56;
	v1 =	vadd.f32 v2, v1  }
0x4b: {  	v2 =	vld.idx.msk [tilespmem:v57+s2+$0x0], $0xffff  }
0x4c: {  	v62 =	vadd.s32 $0x320, v58;
	v1 =	vadd.f32 v3, v1  }
0x4d: {  	v3 =	vld.idx.msk [tilespmem:v59+s2+$0x0], $0xffff  }
0x4e: {  	v1 =	vadd.f32 v60, v1  }
0x4f: {  	v63 =	vld.idx.msk [tilespmem:v61+s2+$0x0], $0xffff  }
0x50: {  	v1 =	vadd.f32 v2, v1  }
0x51: {  	v2 =	vld.idx.msk [tilespmem:v62+s2+$0x0], $0xffff  }
0x52: {  	v1 =	vadd.f32 v3, v1;
	_ =	sdelay $0x1  }
0x53: {  	v1 =	vadd.f32 v63, v1;
	_ =	sdelay $0x1  }
0x54: {  	s30 =	simm.s32 $0x10;
	s15 =	simm.s32 $0x80;
	v1 =	vadd.f32 v2, v1  }
0x55: {  	s31 =	sand.u32 $0xC00, s15;
	s13 =	sand.u32 $0x70, s30  }
0x56: {  	s16 =	simm.s32 $0x20;
	s14 =	sor.u32 s13, s31;
	s13 =	simm.s32 $0x4380;
	[tilespmem:s11+$0x0] =	vst v1  }
.LBB2_2:
0x57: {  	p0 =	sne.s32 s16, $0x1F0;
	v1 =	vld [tilespmem:s14+$0x380]  }
0x58: {  	v2 =	vld [tilespmem:s14+$0x400];
	_ =	sdelay $0x1  }
0x59: {  	v3 =	vld [tilespmem:s14+$0x480];
	_ =	sdelay $0x1  }
0x5a: {  	v4 =	vld [tilespmem:s14+$0x500]  }
0x5b: {  	v2 =	vadd.s32 $0x20, v2  }
0x5c: {  	v5 =	vld [tilespmem:s14+$0x580]  }
0x5d: {  	v3 =	vadd.s32 $0x40, v3;
	v6 =	vld [tilespmem:s14+$0x600]  }
0x5e: {  	v1 =	vld.idx.msk [tilespmem:v1+s2+$0x0], $0xffff  }
0x5f: {  	v4 =	vadd.s32 $0x60, v4;
	v7 =	vld [tilespmem:s14+$0x680]  }
0x60: {  	v2 =	vld.idx.msk [tilespmem:v2+s2+$0x0], $0xffff  }
0x61: {  	v5 =	vadd.s32 $0x80, v5;
	v8 =	vld [tilespmem:s14+$0x700]  }
0x62: {  	v3 =	vld.idx.msk [tilespmem:v3+s2+$0x0], $0xffff  }
0x63: {  	v6 =	vadd.s32 $0xA0, v6;
	v9 =	vld [tilespmem:s14+$0x1380]  }
0x64: {  	v1 =	vadd.f32 v1, v0;
	v4 =	vld.idx.msk [tilespmem:v4+s2+$0x0], $0xffff  }
0x65: {  	v7 =	vadd.s32 $0xC0, v7;
	v10 =	vld [tilespmem:s14+$0x1400]  }
0x66: {  	v1 =	vadd.f32 v2, v1;
	v2 =	vld.idx.msk [tilespmem:v5+s2+$0x0], $0xffff  }
0x67: {  	v5 =	vadd.s32 $0xE0, v8;
	v8 =	vld [tilespmem:s14+$0x1480]  }
0x68: {  	v1 =	vadd.f32 v3, v1;
	v3 =	vld.idx.msk [tilespmem:v6+s2+$0x0], $0xffff  }
0x69: {  	v6 =	vadd.s32 $0x100, v9;
	v9 =	vld [tilespmem:s14+$0x1500]  }
0x6a: {  	v1 =	vadd.f32 v4, v1;
	v4 =	vld.idx.msk [tilespmem:v7+s2+$0x0], $0xffff  }
0x6b: {  	v7 =	vadd.s32 $0x120, v10;
	v10 =	vld [tilespmem:s14+$0x1580]  }
0x6c: {  	v1 =	vadd.f32 v2, v1;
	v2 =	vld.idx.msk [tilespmem:v5+s2+$0x0], $0xffff  }
0x6d: {  	v5 =	vadd.s32 $0x140, v8;
	v8 =	vld [tilespmem:s14+$0x1600]  }
0x6e: {  	v1 =	vadd.f32 v3, v1;
	v3 =	vld.idx.msk [tilespmem:v6+s2+$0x0], $0xffff  }
0x6f: {  	v6 =	vadd.s32 $0x160, v9;
	v9 =	vld [tilespmem:s14+$0x1680]  }
0x70: {  	v1 =	vadd.f32 v4, v1;
	v4 =	vld.idx.msk [tilespmem:v7+s2+$0x0], $0xffff  }
0x71: {  	v7 =	vadd.s32 $0x180, v10;
	v10 =	vld [tilespmem:s14+$0x1700]  }
0x72: {  	v1 =	vadd.f32 v2, v1;
	v2 =	vld.idx.msk [tilespmem:v5+s2+$0x0], $0xffff  }
0x73: {  	v5 =	vadd.s32 $0x1A0, v8;
	v8 =	vld [tilespmem:s14+$0x2380]  }
0x74: {  	v1 =	vadd.f32 v3, v1;
	v3 =	vld.idx.msk [tilespmem:v6+s2+$0x0], $0xffff  }
0x75: {  	v6 =	vadd.s32 $0x1C0, v9;
	v9 =	vld [tilespmem:s14+$0x2400]  }
0x76: {  	v1 =	vadd.f32 v4, v1;
	v4 =	vld.idx.msk [tilespmem:v7+s2+$0x0], $0xffff  }
0x77: {  	v7 =	vadd.s32 $0x1E0, v10;
	v10 =	vld [tilespmem:s14+$0x2480]  }
0x78: {  	v1 =	vadd.f32 v2, v1;
	v2 =	vld.idx.msk [tilespmem:v5+s2+$0x0], $0xffff  }
0x79: {  	v5 =	vadd.s32 $0x200, v8;
	v8 =	vld [tilespmem:s14+$0x2500]  }
0x7a: {  	v1 =	vadd.f32 v3, v1;
	v3 =	vld.idx.msk [tilespmem:v6+s2+$0x0], $0xffff  }
0x7b: {  	v6 =	vadd.s32 $0x220, v9;
	v9 =	vld [tilespmem:s14+$0x2580]  }
0x7c: {  	v1 =	vadd.f32 v4, v1;
	v4 =	vld.idx.msk [tilespmem:v7+s2+$0x0], $0xffff  }
0x7d: {  	v7 =	vadd.s32 $0x240, v10;
	v10 =	vld [tilespmem:s14+$0x2600]  }
0x7e: {  	v1 =	vadd.f32 v2, v1;
	v2 =	vld.idx.msk [tilespmem:v5+s2+$0x0], $0xffff  }
0x7f: {  	v5 =	vadd.s32 $0x260, v8;
	v8 =	vld [tilespmem:s14+$0x2680]  }
0x80: {  	v1 =	vadd.f32 v3, v1;
	v3 =	vld.idx.msk [tilespmem:v6+s2+$0x0], $0xffff  }
0x81: {  	v6 =	vadd.s32 $0x280, v9;
	v9 =	vld [tilespmem:s14+$0x2700]  }
0x82: {  	v1 =	vadd.f32 v4, v1;
	v4 =	vld.idx.msk [tilespmem:v7+s2+$0x0], $0xffff  }
0x83: {  	v7 =	vadd.s32 $0x2A0, v10;
	v10 =	vld [tilespmem:s14+$0x3380]  }
0x84: {  	v1 =	vadd.f32 v2, v1;
	v2 =	vld.idx.msk [tilespmem:v5+s2+$0x0], $0xffff  }
0x85: {  	v5 =	vadd.s32 $0x2C0, v8;
	v8 =	vld [tilespmem:s14+$0x3400]  }
0x86: {  	v1 =	vadd.f32 v3, v1;
	v3 =	vld.idx.msk [tilespmem:v6+s2+$0x0], $0xffff  }
0x87: {  	v6 =	vadd.s32 $0x2E0, v9  }
0x88: {  	v1 =	vadd.f32 v4, v1;
	v4 =	vld.idx.msk [tilespmem:v7+s2+$0x0], $0xffff  }
0x89: {  	v7 =	vadd.s32 $0x300, v10  }
0x8a: {  	v1 =	vadd.f32 v2, v1;
	v2 =	vld.idx.msk [tilespmem:v5+s2+$0x0], $0xffff  }
0x8b: {  	v5 =	vadd.s32 $0x320, v8  }
0x8c: {  	v1 =	vadd.f32 v3, v1;
	v3 =	vld.idx.msk [tilespmem:v6+s2+$0x0], $0xffff;
	_ =	sdelay $0x1  }
0x8d: {  	v1 =	vadd.f32 v4, v1;
	v4 =	vld.idx.msk [tilespmem:v7+s2+$0x0], $0xffff;
	_ =	sdelay $0x1  }
0x8e: {  	v1 =	vadd.f32 v2, v1;
	v2 =	vld.idx.msk [tilespmem:v5+s2+$0x0], $0xffff;
	_ =	sdelay $0x1  }
0x8f: {  	v1 =	vadd.f32 v3, v1;
	_ =	sdelay $0x1  }
.Ltmp0:
0x90: {  	v1 =	vadd.f32 v4, v1;
	(pc) =	sbr.rel @p0 .LBB2_2-.Ltmp0, $4  }
0x91: {  	_ = 	snop  }
0x92: {  	s15 =	sadd.s32 $0x80, s15;
	v1 =	vadd.f32 v2, v1  }
0x93: {  	s13 =	sadd.s32 $0x10, s13;
	s17 =	sand.u32 $0xC00, s15;
	s14 =	sand.u32 $0x70, s16  }
0x94: {  	s16 =	sadd.s32 $0x10, s16;
	s14 =	sor.u32 s14, s17;
	[tilespmem:s13+$0x0] =	vst v1  }
0x95: {  	v1 =	vld [tilespmem:s14+$0x380]  }
0x96: {  	v2 =	vld [tilespmem:s14+$0x400];
	_ =	sdelay $0x1  }
0x97: {  	v3 =	vld [tilespmem:s14+$0x480];
	_ =	sdelay $0x1  }
0x98: {  	v4 =	vld [tilespmem:s14+$0x500]  }
0x99: {  	v2 =	vadd.s32 $0x20, v2  }
0x9a: {  	v5 =	vld [tilespmem:s14+$0x580]  }
0x9b: {  	v6 =	vld [tilespmem:s14+$0x600];
	v3 =	vadd.s32 $0x40, v3  }
0x9c: {  	v1 =	vld.idx.msk [tilespmem:v1+s2+$0x0], $0xffff  }
0x9d: {  	v7 =	vld [tilespmem:s14+$0x680];
	v4 =	vadd.s32 $0x60, v4  }
0x9e: {  	v2 =	vld.idx.msk [tilespmem:v2+s2+$0x0], $0xffff  }
0x9f: {  	v8 =	vld [tilespmem:s14+$0x700];
	v5 =	vadd.s32 $0x80, v5  }
0xa0: {  	v3 =	vld.idx.msk [tilespmem:v3+s2+$0x0], $0xffff  }
0xa1: {  	v9 =	vld [tilespmem:s14+$0x1380];
	v6 =	vadd.s32 $0xA0, v6;
	v0 =	vadd.f32 v1, v0  }
0xa2: {  	v56 =	vld.idx.msk [tilespmem:v4+s2+$0x0], $0xffff  }
0xa3: {  	v58 =	vld [tilespmem:s14+$0x1400];
	v57 =	vadd.s32 $0xC0, v7;
	v0 =	vadd.f32 v2, v0  }
0xa4: {  	v59 =	vld.idx.msk [tilespmem:v5+s2+$0x0], $0xffff  }
0xa5: {  	v61 =	vld [tilespmem:s14+$0x1480];
	v60 =	vadd.s32 $0xE0, v8;
	v0 =	vadd.f32 v3, v0  }
0xa6: {  	v62 =	vld.idx.msk [tilespmem:v6+s2+$0x0], $0xffff  }
0xa7: {  	v12 =	vld [tilespmem:s14+$0x1500];
	v63 =	vadd.s32 $0x100, v9;
	v0 =	vadd.f32 v56, v0  }
0xa8: {  	v13 =	vld.idx.msk [tilespmem:v57+s2+$0x0], $0xffff  }
0xa9: {  	v15 =	vld [tilespmem:s14+$0x1580];
	v14 =	vadd.s32 $0x120, v58;
	v0 =	vadd.f32 v59, v0  }
0xaa: {  	v16 =	vld.idx.msk [tilespmem:v60+s2+$0x0], $0xffff  }
0xab: {  	v18 =	vld [tilespmem:s14+$0x1600];
	v17 =	vadd.s32 $0x140, v61;
	v0 =	vadd.f32 v62, v0  }
0xac: {  	v19 =	vld.idx.msk [tilespmem:v63+s2+$0x0], $0xffff  }
0xad: {  	v21 =	vld [tilespmem:s14+$0x1680];
	v20 =	vadd.s32 $0x160, v12;
	v0 =	vadd.f32 v13, v0  }
0xae: {  	v22 =	vld.idx.msk [tilespmem:v14+s2+$0x0], $0xffff  }
0xaf: {  	v24 =	vld [tilespmem:s14+$0x1700];
	v23 =	vadd.s32 $0x180, v15;
	v0 =	vadd.f32 v16, v0  }
0xb0: {  	v25 =	vld.idx.msk [tilespmem:v17+s2+$0x0], $0xffff  }
0xb1: {  	v27 =	vld [tilespmem:s14+$0x2380];
	v26 =	vadd.s32 $0x1A0, v18;
	v0 =	vadd.f32 v19, v0  }
0xb2: {  	v28 =	vld.idx.msk [tilespmem:v20+s2+$0x0], $0xffff  }
0xb3: {  	v30 =	vld [tilespmem:s14+$0x2400];
	v29 =	vadd.s32 $0x1C0, v21;
	v0 =	vadd.f32 v22, v0  }
0xb4: {  	v31 =	vld.idx.msk [tilespmem:v23+s2+$0x0], $0xffff  }
0xb5: {  	v33 =	vld [tilespmem:s14+$0x2480];
	v32 =	vadd.s32 $0x1E0, v24;
	v0 =	vadd.f32 v25, v0  }
0xb6: {  	v34 =	vld.idx.msk [tilespmem:v26+s2+$0x0], $0xffff  }
0xb7: {  	v36 =	vld [tilespmem:s14+$0x2500];
	v35 =	vadd.s32 $0x200, v27;
	v0 =	vadd.f32 v28, v0  }
0xb8: {  	v37 =	vld.idx.msk [tilespmem:v29+s2+$0x0], $0xffff  }
0xb9: {  	v39 =	vld [tilespmem:s14+$0x2580];
	v38 =	vadd.s32 $0x220, v30;
	v0 =	vadd.f32 v31, v0  }
0xba: {  	v40 =	vld.idx.msk [tilespmem:v32+s2+$0x0], $0xffff  }
0xbb: {  	v42 =	vld [tilespmem:s14+$0x2600];
	v41 =	vadd.s32 $0x240, v33;
	v0 =	vadd.f32 v34, v0  }
0xbc: {  	v43 =	vld.idx.msk [tilespmem:v35+s2+$0x0], $0xffff  }
0xbd: {  	v45 =	vld [tilespmem:s14+$0x2680];
	v44 =	vadd.s32 $0x260, v36;
	v0 =	vadd.f32 v37, v0  }
0xbe: {  	v46 =	vld.idx.msk [tilespmem:v38+s2+$0x0], $0xffff  }
0xbf: {  	v48 =	vld [tilespmem:s14+$0x2700];
	v47 =	vadd.s32 $0x280, v39;
	v0 =	vadd.f32 v40, v0  }
0xc0: {  	v49 =	vld.idx.msk [tilespmem:v41+s2+$0x0], $0xffff  }
0xc1: {  	v51 =	vld [tilespmem:s14+$0x3380];
	v50 =	vadd.s32 $0x2A0, v42;
	v0 =	vadd.f32 v43, v0  }
0xc2: {  	v52 =	vld.idx.msk [tilespmem:v44+s2+$0x0], $0xffff  }
0xc3: {  	v54 =	vld [tilespmem:s14+$0x3400];
	v53 =	vadd.s32 $0x2C0, v45;
	v0 =	vadd.f32 v46, v0  }
0xc4: {  	v55 =	vld.idx.msk [tilespmem:v47+s2+$0x0], $0xffff  }
0xc5: {  	v56 =	vadd.s32 $0x2E0, v48;
	v0 =	vadd.f32 v49, v0  }
0xc6: {  	v57 =	vld.idx.msk [tilespmem:v50+s2+$0x0], $0xffff  }
0xc7: {  	v58 =	vadd.s32 $0x300, v51;
	v0 =	vadd.f32 v52, v0  }
0xc8: {  	v59 =	vld.idx.msk [tilespmem:v53+s2+$0x0], $0xffff  }
0xc9: {  	v60 =	vadd.s32 $0x320, v54;
	v0 =	vadd.f32 v55, v0  }
0xca: {  	v61 =	vld.idx.msk [tilespmem:v56+s2+$0x0], $0xffff  }
0xcb: {  	v0 =	vadd.f32 v57, v0  }
0xcc: {  	v62 =	vld.idx.msk [tilespmem:v58+s2+$0x0], $0xffff  }
0xcd: {  	v0 =	vadd.f32 v59, v0  }
0xce: {  	v63 =	vld.idx.msk [tilespmem:v60+s2+$0x0], $0xffff  }
0xcf: {  	v0 =	vadd.f32 v61, v0;
	_ =	sdelay $0x1  }
0xd0: {  	v0 =	vadd.f32 v62, v0;
	_ =	sdelay $0x1  }
0xd1: {  	s12 =	sadd.s32 $0x1, s12;
	v0 =	vadd.f32 v63, v0  }
0xd2: {  	s13 =	sadd.s32 $0x10, s13;
	p0 =	sne.s32 s12, s7  }
.Ltmp1:
0xd3: {  	[tilespmem:s13+$0x0] =	vst v0;
	(pc) =	sbr.rel @p0 .LBB2_1-.Ltmp1, $4  }
0xd4: {  	[hbm4b:s6+s2] =	stream.linear.scatter [tilespmem:s11], [sflag:$0x1], $0x200, $0x38;
	[tilespmem:$0x4600] =	vst v63  }
0xd5: {  	_ =	swait.ge [sflag:s8], $0x200  }
0xd6: {  	[sflag:s8] =	ssyncset.done $0x0  }
0xd7: {  	[sflag:s8] =	ssyncadd.s32 $0xFFFFFE00  }
0xd8: {  	_ =	sfence.sel $0x180000  }
0xd9: {  	[bflag:$0x0] =	sbarrier.arrive $0xFFFF  }
0xda: {  	p0 =	sne.s32 s1, $0x0;
	_ =	strace $0x90000047  }
0xdb: {  	s0 =	sadd.s32 @!p0 $0x100000, s0;
	[bflag:$0x2] =	sbarrier.arrive $0xFFFF  }
0xdc: {  	[sflag:s0] =	ssyncadd.tile.s32 @!p0 $0x1;
	_ =	shalt  }
.Lfunc_end2:
_tile_overlayer_lowered:
.L_overlay_start_2:
0xdd: {  	(tag) =	ssettag $0x2  }
0xde: {  	s0 =	rddreg [dreg:$0x0];
	s2 =	stileid.u32  }
0xdf: {  	s1 =	rddreg [dreg:$0x1];
	p0 =	sne.s32 s2, $0x0  }
0xe0: {  	s3 =	rddreg [dreg:$0x2];
	[bflag:$0x3] =	sbarrier.arrive $0xFFFF;
	s2 =	simm.s32 @!p0 $0x1C01  }
0xe1: {  	[timem:s3], [sflag:s2] =	dma.local @!p0 [hbm:s0], s1  }
0xe2: {  	s0 =	simm.s32 @!p0 $0x1  }
0xe3: {  	_ =	swait.ge @!p0 [sflag:s0], s1  }
0xe4: {  	s1 =	ssub.s32 @!p0 $0x0, s1;
	[sflag:s0] =	ssyncset.done @!p0 $0x0  }
0xe5: {  	[sflag:s0] =	ssyncadd.s32 @!p0 s1  }
0xe6: {  	[bflag:$0x3] =	sbarrier.arrive $0xFFFF  }
0xe7: {  	_ =	shalt  }

</sc_bundles>
